<compile_context>
chip_gen: v7x
topology: tpu7x:2x2x1
jax: 0.10.2.dev20260603
libtpu: 0.0.44.dev20260713+nightly
codegen_flags: <defaults>
</compile_context>

<pallas_src>
import jax
import jax.numpy as jnp
from jax import lax
from jax.experimental import pallas as pl
from jax.experimental.pallas import tpu as pltpu
from jax.experimental.pallas import tpu_sc as plsc

NUM_SEG = 16
TOTAL_TOK = 32768
D = 128

NC = 2
NS = 16
NW = NC * NS

T_SC = 8192
T_TC = TOTAL_TOK - T_SC
TW = T_SC // NW
R = 128
NCHUNK = TW // R

TC_BLK = 4096
NSTEP = T_TC // TC_BLK
CNT_BLK = (-(-TOTAL_TOK // NSTEP) + D - 1) // D * D
PAD_TOK = NSTEP * CNT_BLK


def _sc_body(flat_hbm, sids_hbm, zacc_hbm, psums_hbm,
             sid_v, rows_a, rows_b, shared_acc, sem_a, sem_b, sem_s):
    c = lax.axis_index("c")
    s = lax.axis_index("s")
    wid = c * NS + s
    base = pl.multiple_of(wid * TW, R)

    bufs = (rows_a, rows_b)
    sems = (sem_a, sem_b)

    row0 = wid * NCHUNK
    win0 = pl.multiple_of(row0 // 8 * 8, 8)
    pltpu.sync_copy(sids_hbm.at[pl.ds(win0, 16)], sid_v)
    roff = row0 - win0

    @pl.when(s == 0)
    def _init():
        pltpu.sync_copy(zacc_hbm, shared_acc)

    plsc.subcore_barrier()

    pending = pltpu.async_copy(flat_hbm.at[pl.ds(base, R)], bufs[0], sems[0])
    scatters = []
    for k in range(NCHUNK):
        nxt = None
        if k + 1 < NCHUNK:
            nxt = pltpu.async_copy(
                flat_hbm.at[pl.ds(base + (k + 1) * R, R)],
                bufs[(k + 1) % 2], sems[(k + 1) % 2])
        pending.wait()
        scatters.append(pltpu.async_copy(
            bufs[k % 2], shared_acc.at[sid_v.at[roff + k]], sem_s, add=True))
        pending = nxt

    for h in scatters:
        h.wait()

    plsc.subcore_barrier()

    @pl.when(s == 0)
    def _fini():
        pltpu.sync_copy(shared_acc, psums_hbm.at[c])


def _tc_psum_body(rows_ref, oht_ref, ohtc_ref, o_ref, cnt_ref):
    part = lax.dot_general(oht_ref[...].astype(jnp.float32), rows_ref[...],
                           (((1,), (0,)), ((), ())),
                           preferred_element_type=jnp.float32)
    cpart = jnp.sum(ohtc_ref[...].astype(jnp.float32), axis=1,
                    keepdims=True)

    @pl.when(pl.program_id(0) == 0)
    def _():
        o_ref[...] = jnp.zeros_like(o_ref)
        cnt_ref[...] = jnp.zeros_like(cnt_ref)

    o_ref[...] += part
    cnt_ref[...] += cpart


def _combine_body(ps_sc_ref, ps_tc_ref, cnt_ref, o_ref):
    cnt = jnp.maximum(cnt_ref[...], 1.0)
    o_ref[...] = (ps_sc_ref[0] + ps_sc_ref[1] + ps_tc_ref[...]) / cnt


def kernel(flat, segment_ids):
    sids = segment_ids.astype(jnp.int32)
    sids2 = sids.reshape(TOTAL_TOK // R, R)
    zacc = jnp.zeros((NUM_SEG, D), jnp.float32)

    mesh = plsc.VectorSubcoreMesh(core_axis_name="c", subcore_axis_name="s")
    psums_sc = pl.kernel(
        _sc_body,
        out_type=jax.ShapeDtypeStruct((NC, NUM_SEG, D), jnp.float32),
        mesh=mesh,
        scratch_types=[
            pltpu.VMEM((16, R), jnp.int32),
            pltpu.VMEM((R, D), jnp.float32),
            pltpu.VMEM((R, D), jnp.float32),
            pltpu.VMEM_SHARED((NUM_SEG, D), jnp.float32),
            pltpu.SemaphoreType.DMA,
            pltpu.SemaphoreType.DMA,
            pltpu.SemaphoreType.DMA,
        ],
    )(flat, sids2, zacc)

    sids_pad = jnp.concatenate(
        [sids, jnp.full((PAD_TOK - TOTAL_TOK,), -1, jnp.int32)])
    oht = (sids_pad[None, :] == lax.broadcasted_iota(
        jnp.int32, (NUM_SEG, PAD_TOK), 0)).astype(jnp.bfloat16)
    off = T_SC // TC_BLK
    psum_tc, cnt = pl.pallas_call(
        _tc_psum_body,
        grid=(NSTEP,),
        in_specs=[
            pl.BlockSpec((TC_BLK, D), lambda k: (k + off, 0)),
            pl.BlockSpec((NUM_SEG, TC_BLK), lambda k: (0, k + off)),
            pl.BlockSpec((NUM_SEG, CNT_BLK), lambda k: (0, k)),
        ],
        out_specs=[
            pl.BlockSpec((NUM_SEG, D), lambda k: (0, 0)),
            pl.BlockSpec((NUM_SEG, 1), lambda k: (0, 0)),
        ],
        out_shape=[
            jax.ShapeDtypeStruct((NUM_SEG, D), jnp.float32),
            jax.ShapeDtypeStruct((NUM_SEG, 1), jnp.float32),
        ],
    )(flat, oht, oht)

    out = pl.pallas_call(
        _combine_body,
        out_shape=jax.ShapeDtypeStruct((NUM_SEG, D), jnp.float32),
    )(psums_sc, psum_tc, cnt)
    return out

# --- scband reference (transcript-rebuilt; emitter-appended) ---
"""Pipeline reference for scband-embedding-mean-11879879541813 (READ-ONLY COPY).

The authoritative reference and input builder live on the scoring server;
editing this copy changes nothing except your own understanding.
"""

import jax, jax.numpy as jnp
import numpy as np

NUM_SEGMENTS = 16
TOTAL_TOK = 32768
D = 128

def setup_inputs(seed: int = 0) -> dict:
    key = jax.random.key(seed)
    k1, k2 = jax.random.split(key)
    flat = jax.random.normal(k1, (TOTAL_TOK, D), dtype=jnp.float32)
    segment_ids = jnp.sort(jax.random.randint(k2, (TOTAL_TOK,), 0, NUM_SEGMENTS)).astype(jnp.int64)
    return {"flat": flat, "segment_ids": segment_ids}

def reference(flat, segment_ids):
    # tf.reduce_mean(ragged, axis=1) == per-segment mean over the ragged token axis
    sums = jax.ops.segment_sum(flat, segment_ids, num_segments=NUM_SEGMENTS)
    counts = jnp.bincount(segment_ids, length=NUM_SEGMENTS).astype(flat.dtype)
    counts = jnp.maximum(counts, 1.0)  # guard empty rows (tf yields NaN; we guard for stability)
    return sums / counts[:, None]

if __name__ == "__main__":
    import jax
    _d = setup_inputs()
    print(jax.jit(kernel)(*tuple(_d.values())))

</pallas_src>

<mosaic_0001>
#map = affine_map<(d0, d1) -> (0, 0)>
#map1 = affine_map<(d0, d1) -> (0, 0, 0)>
module attributes {stable_mosaic.version = 14 : i64} {
  func.func @_sc_body(%arg0: i32, %arg1: i32, %arg2: memref<32768x128xf32, #tpu.memory_space<hbm>>, %arg3: memref<256x128xi32, #tpu.memory_space<hbm>>, %arg4: memref<16x128xf32, #tpu.memory_space<hbm>>, %arg5: memref<2x16x128xf32, #tpu.memory_space<hbm>>, %arg6: memref<16x128xi32, #tpu.memory_space<vmem>>, %arg7: memref<128x128xf32, #tpu.memory_space<vmem>>, %arg8: memref<128x128xf32, #tpu.memory_space<vmem>>, %arg9: memref<16x128xf32, #tpu.memory_space<vmem_shared>>, %arg10: memref<!tpu.dma_semaphore, #tpu.memory_space<semaphore_mem>>, %arg11: memref<!tpu.dma_semaphore, #tpu.memory_space<semaphore_mem>>, %arg12: memref<!tpu.dma_semaphore, #tpu.memory_space<semaphore_mem>>) attributes {dimension_semantics = [#tpu.dimension_semantics<core_parallel>, #tpu.dimension_semantics<subcore_parallel>], iteration_bounds = array<i64: 2, 16>, scalar_prefetch = 0 : i64, scratch_operands = 7 : i64, tpu.core_type = #tpu.core_type<sc_vector_subcore>, window_params = [{transform_indices = #map}, {transform_indices = #map}, {transform_indices = #map}, {transform_indices = #map1}]} {
    %mul3A = arith.constant 16 : i32
    %mul3A_0 = arith.muli %arg0, %mul3A : i32
    %add3A = arith.addi %mul3A_0, %arg1 : i32
    %mul3A_1 = arith.constant 256 : i32
    %mul3A_2 = arith.muli %add3A, %mul3A_1 : i32
    %multiple_of3A = tpu.assume_multiple %mul3A_2, 128 : i32
    %mul3A_3 = arith.constant 2 : i32
    %mul3A_4 = arith.muli %add3A, %mul3A_3 : i32
    %jit3A = arith.constant 8 : i32
    %div3A = arith.divsi %mul3A_4, %jit3A : i32
    %sign3A = arith.constant 0 : i32
    %sign3A_5 = arith.cmpi sgt, %mul3A_4, %sign3A : i32
    %sign3A_6 = arith.extui %sign3A_5 : i1 to i32
    %sign3A_7 = arith.constant 0 : i32
    %sign3A_8 = arith.cmpi slt, %mul3A_4, %sign3A_7 : i32
    %sign3A_9 = arith.extui %sign3A_8 : i1 to i32
    %sign3A_10 = arith.subi %sign3A_6, %sign3A_9 : i32
    %sign3A_11 = arith.constant 0 : i32
    %sign3A_12 = arith.cmpi sgt, %jit3A, %sign3A_11 : i32
    %sign3A_13 = arith.extui %sign3A_12 : i1 to i32
    %sign3A_14 = arith.constant 0 : i32
    %sign3A_15 = arith.cmpi slt, %jit3A, %sign3A_14 : i32
    %sign3A_16 = arith.extui %sign3A_15 : i1 to i32
    %sign3A_17 = arith.subi %sign3A_13, %sign3A_16 : i32
    %ne3A = arith.cmpi ne, %sign3A_10, %sign3A_17 : i32
    %rem3A = arith.remsi %mul3A_4, %jit3A : i32
    %ne3A_18 = arith.constant 0 : i32
    %ne3A_19 = arith.cmpi ne, %rem3A, %ne3A_18 : i32
    %and3A = arith.andi %ne3A, %ne3A_19 : i1
    %sub3A = arith.constant 1 : i32
    %sub3A_20 = arith.subi %div3A, %sub3A : i32
    %select_n3A = arith.select %and3A, %sub3A_20, %div3A : i32
    %mul3A_21 = arith.constant 8 : i32
    %mul3A_22 = arith.muli %select_n3A, %mul3A_21 : i32
    %multiple_of3A_23 = tpu.assume_multiple %mul3A_22, 8 : i32
    "tpu.region"() ({
      %run_scoped3A = tpu.sem_alloc : memref<!tpu.dma_semaphore, #tpu.memory_space<semaphore_mem>>
      %dma_start3A_77 = arith.constant 0 : i32
      %dma_start3A_78 = tpu.memref_slice %arg3[%multiple_of3A_23, %dma_start3A_77] : memref<256x128xi32, #tpu.memory_space<hbm>> -> memref<16x128xi32, #tpu.memory_space<hbm>>
      %dma_start3A_79 = arith.constant 0 : i32
      %dma_start3A_80 = tpu.memref_slice %arg3[%multiple_of3A_23, %dma_start3A_79] : memref<256x128xi32, #tpu.memory_space<hbm>> -> memref<16x128xi32, #tpu.memory_space<hbm>>
      tpu.enqueue_dma source(%dma_start3A_80 : memref<16x128xi32, #tpu.memory_space<hbm>>) target(%arg6 : memref<16x128xi32, #tpu.memory_space<vmem>>) target_semaphore(%run_scoped3A : memref<!tpu.dma_semaphore, #tpu.memory_space<semaphore_mem>>)
      %dma_wait3A_81 = arith.constant 0 : i32
      %dma_wait3A_82 = tpu.memref_slice %arg3[%multiple_of3A_23, %dma_wait3A_81] : memref<256x128xi32, #tpu.memory_space<hbm>> -> memref<16x128xi32, #tpu.memory_space<hbm>>
      %dma_wait3A_83 = arith.constant 0 : i32
      %dma_wait3A_84 = tpu.memref_slice %arg3[%multiple_of3A_23, %dma_wait3A_83] : memref<256x128xi32, #tpu.memory_space<hbm>> -> memref<16x128xi32, #tpu.memory_space<hbm>>
      tpu.wait_dma2 semaphore(%run_scoped3A : memref<!tpu.dma_semaphore, #tpu.memory_space<semaphore_mem>>) src(%dma_wait3A_84 : memref<16x128xi32, #tpu.memory_space<hbm>>) dst(%arg6 : memref<16x128xi32, #tpu.memory_space<vmem>>)
      tpu.yield
    }) : () -> ()
    %sub3A_24 = arith.subi %mul3A_4, %multiple_of3A_23 : i32
    %eq3A = arith.constant 0 : i32
    %eq3A_25 = arith.cmpi eq, %arg1, %eq3A : i32
    %convert_element_type3A = arith.extui %eq3A_25 : i1 to i32
    %cond3A = arith.constant 0 : i32
    %cond3A_26 = arith.cmpi ne, %convert_element_type3A, %cond3A : i32
    scf.if %cond3A_26 {
      "tpu.region"() ({
        %run_scoped3A = tpu.sem_alloc : memref<!tpu.dma_semaphore, #tpu.memory_space<semaphore_mem>>
        tpu.enqueue_dma source(%arg4 : memref<16x128xf32, #tpu.memory_space<hbm>>) target(%arg9 : memref<16x128xf32, #tpu.memory_space<vmem_shared>>) target_semaphore(%run_scoped3A : memref<!tpu.dma_semaphore, #tpu.memory_space<semaphore_mem>>)
        tpu.wait_dma2 semaphore(%run_scoped3A : memref<!tpu.dma_semaphore, #tpu.memory_space<semaphore_mem>>) src(%arg4 : memref<16x128xf32, #tpu.memory_space<hbm>>) dst(%arg9 : memref<16x128xf32, #tpu.memory_space<vmem_shared>>)
        tpu.yield
      }) : () -> ()
    } else {
    }
    %barrier3A = arith.constant 0 : index
    tpu.barrier barrier_id(%barrier3A)
    %dma_start3A = arith.constant 0 : i32
    %dma_start3A_27 = tpu.memref_slice %arg2[%multiple_of3A, %dma_start3A] : memref<32768x128xf32, #tpu.memory_space<hbm>> -> memref<128x128xf32, #tpu.memory_space<hbm>>
    %dma_start3A_28 = arith.constant 0 : i32
    %dma_start3A_29 = tpu.memref_slice %arg2[%multiple_of3A, %dma_start3A_28] : memref<32768x128xf32, #tpu.memory_space<hbm>> -> memref<128x128xf32, #tpu.memory_space<hbm>>
    tpu.enqueue_dma source(%dma_start3A_29 : memref<128x128xf32, #tpu.memory_space<hbm>>) target(%arg7 : memref<128x128xf32, #tpu.memory_space<vmem>>) target_semaphore(%arg10 : memref<!tpu.dma_semaphore, #tpu.memory_space<semaphore_mem>>)
    %add3A_30 = arith.constant 128 : i32
    %add3A_31 = arith.addi %multiple_of3A, %add3A_30 : i32
    %dma_start3A_32 = arith.constant 0 : i32
    %dma_start3A_33 = tpu.memref_slice %arg2[%add3A_31, %dma_start3A_32] : memref<32768x128xf32, #tpu.memory_space<hbm>> -> memref<128x128xf32, #tpu.memory_space<hbm>>
    %dma_start3A_34 = arith.constant 0 : i32
    %dma_start3A_35 = tpu.memref_slice %arg2[%add3A_31, %dma_start3A_34] : memref<32768x128xf32, #tpu.memory_space<hbm>> -> memref<128x128xf32, #tpu.memory_space<hbm>>
    tpu.enqueue_dma source(%dma_start3A_35 : memref<128x128xf32, #tpu.memory_space<hbm>>) target(%arg8 : memref<128x128xf32, #tpu.memory_space<vmem>>) target_semaphore(%arg11 : memref<!tpu.dma_semaphore, #tpu.memory_space<semaphore_mem>>)
    %dma_wait3A = arith.constant 0 : i32
    %dma_wait3A_36 = tpu.memref_slice %arg2[%multiple_of3A, %dma_wait3A] : memref<32768x128xf32, #tpu.memory_space<hbm>> -> memref<128x128xf32, #tpu.memory_space<hbm>>
    %dma_wait3A_37 = arith.constant 0 : i32
    %dma_wait3A_38 = tpu.memref_slice %arg2[%multiple_of3A, %dma_wait3A_37] : memref<32768x128xf32, #tpu.memory_space<hbm>> -> memref<128x128xf32, #tpu.memory_space<hbm>>
    tpu.wait_dma2 semaphore(%arg10 : memref<!tpu.dma_semaphore, #tpu.memory_space<semaphore_mem>>) src(%dma_wait3A_38 : memref<128x128xf32, #tpu.memory_space<hbm>>) dst(%arg7 : memref<128x128xf32, #tpu.memory_space<vmem>>)
    %add3A_39 = arith.constant 0 : i32
    %add3A_40 = arith.addi %sub3A_24, %add3A_39 : i32
    %dma_start3A_41 = arith.constant 0 : i32
    %dma_start3A_42 = tpu.memref_slice %arg6[%add3A_40, %dma_start3A_41] : memref<16x128xi32, #tpu.memory_space<vmem>> -> memref<1x128xi32, #tpu.memory_space<vmem>>
    %dma_start3A_43 = tpu.memref_squeeze %dma_start3A_42 : memref<1x128xi32, #tpu.memory_space<vmem>> -> memref<128xi32, #tpu.memory_space<vmem>>
    %dma_start3A_44 = arith.constant 0 : i32
    %dma_start3A_45 = arith.constant 0 : i32
    %dma_start3A_46 = tpu.memref_slice %arg9[%dma_start3A_44, %dma_start3A_45] : memref<16x128xf32, #tpu.memory_space<vmem_shared>> -> memref<16x128xf32, #tpu.memory_space<vmem_shared>>
    tpu.enqueue_indirect_dma source(%arg7 : memref<128x128xf32, #tpu.memory_space<vmem>>) target(%dma_start3A_46 : memref<16x128xf32, #tpu.memory_space<vmem_shared>>) offsets(%dma_start3A_43 : memref<128xi32, #tpu.memory_space<vmem>>) semaphore(%arg12 : memref<!tpu.dma_semaphore, #tpu.memory_space<semaphore_mem>>) {add = true}
    %dma_wait3A_47 = arith.constant 0 : i32
    %dma_wait3A_48 = tpu.memref_slice %arg2[%add3A_31, %dma_wait3A_47] : memref<32768x128xf32, #tpu.memory_space<hbm>> -> memref<128x128xf32, #tpu.memory_space<hbm>>
    %dma_wait3A_49 = arith.constant 0 : i32
    %dma_wait3A_50 = tpu.memref_slice %arg2[%add3A_31, %dma_wait3A_49] : memref<32768x128xf32, #tpu.memory_space<hbm>> -> memref<128x128xf32, #tpu.memory_space<hbm>>
    tpu.wait_dma2 semaphore(%arg11 : memref<!tpu.dma_semaphore, #tpu.memory_space<semaphore_mem>>) src(%dma_wait3A_50 : memref<128x128xf32, #tpu.memory_space<hbm>>) dst(%arg8 : memref<128x128xf32, #tpu.memory_space<vmem>>)
    %add3A_51 = arith.constant 1 : i32
    %add3A_52 = arith.addi %sub3A_24, %add3A_51 : i32
    %dma_start3A_53 = arith.constant 0 : i32
    %dma_start3A_54 = tpu.memref_slice %arg6[%add3A_52, %dma_start3A_53] : memref<16x128xi32, #tpu.memory_space<vmem>> -> memref<1x128xi32, #tpu.memory_space<vmem>>
    %dma_start3A_55 = tpu.memref_squeeze %dma_start3A_54 : memref<1x128xi32, #tpu.memory_space<vmem>> -> memref<128xi32, #tpu.memory_space<vmem>>
    %dma_start3A_56 = arith.constant 0 : i32
    %dma_start3A_57 = arith.constant 0 : i32
    %dma_start3A_58 = tpu.memref_slice %arg9[%dma_start3A_56, %dma_start3A_57] : memref<16x128xf32, #tpu.memory_space<vmem_shared>> -> memref<16x128xf32, #tpu.memory_space<vmem_shared>>
    tpu.enqueue_indirect_dma source(%arg8 : memref<128x128xf32, #tpu.memory_space<vmem>>) target(%dma_start3A_58 : memref<16x128xf32, #tpu.memory_space<vmem_shared>>) offsets(%dma_start3A_55 : memref<128xi32, #tpu.memory_space<vmem>>) semaphore(%arg12 : memref<!tpu.dma_semaphore, #tpu.memory_space<semaphore_mem>>) {add = true}
    %dma_wait3A_59 = arith.constant 0 : i32
    %dma_wait3A_60 = tpu.memref_slice %arg6[%add3A_40, %dma_wait3A_59] : memref<16x128xi32, #tpu.memory_space<vmem>> -> memref<1x128xi32, #tpu.memory_space<vmem>>
    %dma_wait3A_61 = tpu.memref_squeeze %dma_wait3A_60 : memref<1x128xi32, #tpu.memory_space<vmem>> -> memref<128xi32, #tpu.memory_space<vmem>>
    %dma_wait3A_62 = arith.constant 0 : i32
    %dma_wait3A_63 = arith.constant 0 : i32
    %dma_wait3A_64 = tpu.memref_slice %arg9[%dma_wait3A_62, %dma_wait3A_63] : memref<16x128xf32, #tpu.memory_space<vmem_shared>> -> memref<16x128xf32, #tpu.memory_space<vmem_shared>>
    tpu.wait_indirect_dma semaphore(%arg12 : memref<!tpu.dma_semaphore, #tpu.memory_space<semaphore_mem>>) src(%arg7 : memref<128x128xf32, #tpu.memory_space<vmem>>) dst(%dma_wait3A_64 : memref<16x128xf32, #tpu.memory_space<vmem_shared>>)
    %dma_wait3A_65 = arith.constant 0 : i32
    %dma_wait3A_66 = tpu.memref_slice %arg6[%add3A_52, %dma_wait3A_65] : memref<16x128xi32, #tpu.memory_space<vmem>> -> memref<1x128xi32, #tpu.memory_space<vmem>>
    %dma_wait3A_67 = tpu.memref_squeeze %dma_wait3A_66 : memref<1x128xi32, #tpu.memory_space<vmem>> -> memref<128xi32, #tpu.memory_space<vmem>>
    %dma_wait3A_68 = arith.constant 0 : i32
    %dma_wait3A_69 = arith.constant 0 : i32
    %dma_wait3A_70 = tpu.memref_slice %arg9[%dma_wait3A_68, %dma_wait3A_69] : memref<16x128xf32, #tpu.memory_space<vmem_shared>> -> memref<16x128xf32, #tpu.memory_space<vmem_shared>>
    tpu.wait_indirect_dma semaphore(%arg12 : memref<!tpu.dma_semaphore, #tpu.memory_space<semaphore_mem>>) src(%arg8 : memref<128x128xf32, #tpu.memory_space<vmem>>) dst(%dma_wait3A_70 : memref<16x128xf32, #tpu.memory_space<vmem_shared>>)
    %barrier3A_71 = arith.constant 0 : index
    tpu.barrier barrier_id(%barrier3A_71)
    %eq3A_72 = arith.constant 0 : i32
    %eq3A_73 = arith.cmpi eq, %arg1, %eq3A_72 : i32
    %convert_element_type3A_74 = arith.extui %eq3A_73 : i1 to i32
    %cond3A_75 = arith.constant 0 : i32
    %cond3A_76 = arith.cmpi ne, %convert_element_type3A_74, %cond3A_75 : i32
    scf.if %cond3A_76 {
      "tpu.region"() ({
        %run_scoped3A = tpu.sem_alloc : memref<!tpu.dma_semaphore, #tpu.memory_space<semaphore_mem>>
        %dma_start3A_77 = arith.constant 0 : i32
        %dma_start3A_78 = arith.constant 0 : i32
        %dma_start3A_79 = tpu.memref_slice %arg5[%arg0, %dma_start3A_77, %dma_start3A_78] : memref<2x16x128xf32, #tpu.memory_space<hbm>> -> memref<1x16x128xf32, #tpu.memory_space<hbm>>
        %dma_start3A_80 = tpu.memref_squeeze %dma_start3A_79 : memref<1x16x128xf32, #tpu.memory_space<hbm>> -> memref<16x128xf32, #tpu.memory_space<hbm>>
        tpu.enqueue_dma source(%arg9 : memref<16x128xf32, #tpu.memory_space<vmem_shared>>) target(%dma_start3A_80 : memref<16x128xf32, #tpu.memory_space<hbm>>) target_semaphore(%run_scoped3A : memref<!tpu.dma_semaphore, #tpu.memory_space<semaphore_mem>>)
        %dma_wait3A_81 = arith.constant 0 : i32
        %dma_wait3A_82 = arith.constant 0 : i32
        %dma_wait3A_83 = tpu.memref_slice %arg5[%arg0, %dma_wait3A_81, %dma_wait3A_82] : memref<2x16x128xf32, #tpu.memory_space<hbm>> -> memref<1x16x128xf32, #tpu.memory_space<hbm>>
        %dma_wait3A_84 = tpu.memref_squeeze %dma_wait3A_83 : memref<1x16x128xf32, #tpu.memory_space<hbm>> -> memref<16x128xf32, #tpu.memory_space<hbm>>
        tpu.wait_dma2 semaphore(%run_scoped3A : memref<!tpu.dma_semaphore, #tpu.memory_space<semaphore_mem>>) src(%arg9 : memref<16x128xf32, #tpu.memory_space<vmem_shared>>) dst(%dma_wait3A_84 : memref<16x128xf32, #tpu.memory_space<hbm>>)
        tpu.yield
      }) : () -> ()
    } else {
    }
    return
  }
}

module attributes {stable_mosaic.version = 14 : i64} {
  func.func @_tc_psum_body(%arg0: i32, %arg1: memref<4096x128xf32, #tpu.memory_space<vmem>>, %arg2: memref<16x4096xbf16, #tpu.memory_space<vmem>>, %arg3: memref<16x5504xbf16, #tpu.memory_space<vmem>>, %arg4: memref<16x128xf32, #tpu.memory_space<vmem>>, %arg5: memref<16x1xf32, #tpu.memory_space<vmem>>) attributes {dimension_semantics = [#tpu.dimension_semantics<arbitrary>], iteration_bounds = array<i64: 6>, scalar_prefetch = 0 : i64, scratch_operands = 0 : i64, tpu.core_type = #tpu.core_type<tc>, window_params = [{transform_indices = @transform_0, window_bounds = array<i64: 4096, 128>}, {transform_indices = @transform_1, window_bounds = array<i64: 16, 4096>}, {transform_indices = @transform_2, window_bounds = array<i64: 16, 5504>}, {pipeline_mode = #tpu.pipeline_mode<synchronous>, transform_indices = @transform_3, window_bounds = array<i64: 16, 128>}, {pipeline_mode = #tpu.pipeline_mode<synchronous>, transform_indices = @transform_4, window_bounds = array<i64: 16, 1>}]} {
    %get3A = arith.constant 0 : index
    %get3A_0 = arith.constant 0 : index
    %get3A_1 = vector.load %arg2[%get3A, %get3A_0] : memref<16x4096xbf16, #tpu.memory_space<vmem>>, vector<16x4096xbf16>
    %convert_element_type3A = arith.extf %get3A_1 : vector<16x4096xbf16> to vector<16x4096xf32>
    %get3A_2 = arith.constant 0 : index
    %get3A_3 = arith.constant 0 : index
    %get3A_4 = vector.load %arg1[%get3A_2, %get3A_3] : memref<4096x128xf32, #tpu.memory_space<vmem>>, vector<4096x128xf32>
    %dot_general3A = arith.constant dense<0.000000e+00> : vector<16x128xf32>
    %dot_general3A_5 = tpu.matmul %convert_element_type3A, %get3A_4, %dot_general3A {dimension_numbers = #tpu.dot_dimension_numbers<[1], [0], [0], [1], [0, 0, 1, 1], [], []>, transpose_lhs_hint = false} : vector<16x4096xf32>, vector<4096x128xf32>, vector<16x128xf32> -> vector<16x128xf32>
    %get3A_6 = arith.constant 0 : index
    %get3A_7 = arith.constant 0 : index
    %get3A_8 = vector.load %arg3[%get3A_6, %get3A_7] : memref<16x5504xbf16, #tpu.memory_space<vmem>>, vector<16x5504xbf16>
    %convert_element_type3A_9 = arith.extf %get3A_8 : vector<16x5504xbf16> to vector<16x5504xf32>
    %reduce_sum3A = arith.constant dense<0.000000e+00> : vector<16xf32>
    %reduce_sum3A_10 = vector.multi_reduction <add>, %convert_element_type3A_9, %reduce_sum3A [1] : vector<16x5504xf32> to vector<16xf32>
    %broadcast_in_dim3A = vector.shape_cast %reduce_sum3A_10 : vector<16xf32> to vector<16x1xf32>
    %eq3A = arith.constant 0 : i32
    %eq3A_11 = arith.cmpi eq, %arg0, %eq3A : i32
    %convert_element_type3A_12 = arith.extui %eq3A_11 : i1 to i32
    %cond3A = arith.constant 0 : i32
    %cond3A_13 = arith.cmpi ne, %convert_element_type3A_12, %cond3A : i32
    scf.if %cond3A_13 {
      %broadcast_in_dim3A_26 = arith.constant 0.000000e+00 : f32
      %broadcast_in_dim3A_27 = vector.broadcast %broadcast_in_dim3A_26 : f32 to vector<16x128xf32>
      %swap3A_28 = arith.constant 0 : index
      %swap3A_29 = arith.constant 0 : index
      %swap3A_30 = vector.load %arg4[%swap3A_28, %swap3A_29] : memref<16x128xf32, #tpu.memory_space<vmem>>, vector<16x128xf32>
      tpu.vector_store %arg4[%swap3A_28, %swap3A_29], %broadcast_in_dim3A_27 {strides = array<i32>} : memref<16x128xf32, #tpu.memory_space<vmem>>, vector<16x128xf32>,
      %broadcast_in_dim3A_31 = arith.constant 0.000000e+00 : f32
      %broadcast_in_dim3A_32 = vector.broadcast %broadcast_in_dim3A_31 : f32 to vector<16x1xf32>
      %swap3A_33 = arith.constant 0 : index
      %swap3A_34 = arith.constant 0 : index
      %swap3A_35 = vector.load %arg5[%swap3A_33, %swap3A_34] : memref<16x1xf32, #tpu.memory_space<vmem>>, vector<16x1xf32>
      tpu.vector_store %arg5[%swap3A_33, %swap3A_34], %broadcast_in_dim3A_32 {strides = array<i32>} : memref<16x1xf32, #tpu.memory_space<vmem>>, vector<16x1xf32>,
    } else {
    }
    %get3A_14 = arith.constant 0 : index
    %get3A_15 = arith.constant 0 : index
    %get3A_16 = vector.load %arg4[%get3A_14, %get3A_15] : memref<16x128xf32, #tpu.memory_space<vmem>>, vector<16x128xf32>
    %add3A = arith.addf %get3A_16, %dot_general3A_5 : vector<16x128xf32>
    %swap3A = arith.constant 0 : index
    %swap3A_17 = arith.constant 0 : index
    %swap3A_18 = vector.load %arg4[%swap3A, %swap3A_17] : memref<16x128xf32, #tpu.memory_space<vmem>>, vector<16x128xf32>
    tpu.vector_store %arg4[%swap3A, %swap3A_17], %add3A {strides = array<i32>} : memref<16x128xf32, #tpu.memory_space<vmem>>, vector<16x128xf32>,
    %get3A_19 = arith.constant 0 : index
    %get3A_20 = arith.constant 0 : index
    %get3A_21 = vector.load %arg5[%get3A_19, %get3A_20] : memref<16x1xf32, #tpu.memory_space<vmem>>, vector<16x1xf32>
    %add3A_22 = arith.addf %get3A_21, %broadcast_in_dim3A : vector<16x1xf32>
    %swap3A_23 = arith.constant 0 : index
    %swap3A_24 = arith.constant 0 : index
    %swap3A_25 = vector.load %arg5[%swap3A_23, %swap3A_24] : memref<16x1xf32, #tpu.memory_space<vmem>>, vector<16x1xf32>
    tpu.vector_store %arg5[%swap3A_23, %swap3A_24], %add3A_22 {strides = array<i32>} : memref<16x1xf32, #tpu.memory_space<vmem>>, vector<16x1xf32>,
    return
  }
  func.func @transform_0(%arg0: i32) -> (i32, i32) {
    %add3A = arith.constant 2 : i32
    %add3A_0 = arith.addi %arg0, %add3A : i32
    %c0_i32 = arith.constant 0 : i32
    %c0_i32_1 = arith.constant 0 : i32
    return %add3A_0, %c0_i32 : i32, i32
  }
  func.func @transform_1(%arg0: i32) -> (i32, i32) {
    %add3A = arith.constant 2 : i32
    %add3A_0 = arith.addi %arg0, %add3A : i32
    %c0_i32 = arith.constant 0 : i32
    %c0_i32_1 = arith.constant 0 : i32
    return %c0_i32, %add3A_0 : i32, i32
  }
  func.func @transform_2(%arg0: i32) -> (i32, i32) {
    %c0_i32 = arith.constant 0 : i32
    %c0_i32_0 = arith.constant 0 : i32
    return %c0_i32, %arg0 : i32, i32
  }
  func.func @transform_3(%arg0: i32) -> (i32, i32) {
    %c0_i32 = arith.constant 0 : i32
    %c0_i32_0 = arith.constant 0 : i32
    %c0_i32_1 = arith.constant 0 : i32
    return %c0_i32, %c0_i32_0 : i32, i32
  }
  func.func @transform_4(%arg0: i32) -> (i32, i32) {
    %c0_i32 = arith.constant 0 : i32
    %c0_i32_0 = arith.constant 0 : i32
    %c0_i32_1 = arith.constant 0 : i32
    return %c0_i32, %c0_i32_0 : i32, i32
  }
}

module attributes {stable_mosaic.version = 14 : i64} {
  func.func @_combine_body(%arg0: memref<2x16x128xf32, #tpu.memory_space<vmem>>, %arg1: memref<16x128xf32, #tpu.memory_space<vmem>>, %arg2: memref<16x1xf32, #tpu.memory_space<vmem>>, %arg3: memref<16x128xf32, #tpu.memory_space<vmem>>) attributes {dimension_semantics = [], scalar_prefetch = 0 : i64, scratch_operands = 0 : i64, tpu.core_type = #tpu.core_type<tc>} {
    %get3A = arith.constant 0 : index
    %get3A_0 = arith.constant 0 : index
    %get3A_1 = vector.load %arg2[%get3A, %get3A_0] : memref<16x1xf32, #tpu.memory_space<vmem>>, vector<16x1xf32>
    %max3A = arith.constant 1.000000e+00 : f32
    %max3A_2 = vector.broadcast %max3A : f32 to vector<16x1xf32>
    %max3A_3 = arith.maximumf %get3A_1, %max3A_2 : vector<16x1xf32>
    %get3A_4 = arith.constant 0 : index
    %get3A_5 = arith.constant 0 : index
    %get3A_6 = arith.constant 0 : index
    %get3A_7 = vector.load %arg0[%get3A_4, %get3A_5, %get3A_6] : memref<2x16x128xf32, #tpu.memory_space<vmem>>, vector<1x16x128xf32>
    %get3A_8 = vector.shape_cast %get3A_7 : vector<1x16x128xf32> to vector<16x128xf32>
    %get3A_9 = arith.constant 1 : index
    %get3A_10 = arith.constant 0 : index
    %get3A_11 = arith.constant 0 : index
    %get3A_12 = vector.load %arg0[%get3A_9, %get3A_10, %get3A_11] : memref<2x16x128xf32, #tpu.memory_space<vmem>>, vector<1x16x128xf32>
    %get3A_13 = vector.shape_cast %get3A_12 : vector<1x16x128xf32> to vector<16x128xf32>
    %add3A = arith.addf %get3A_8, %get3A_13 : vector<16x128xf32>
    %get3A_14 = arith.constant 0 : index
    %get3A_15 = arith.constant 0 : index
    %get3A_16 = vector.load %arg1[%get3A_14, %get3A_15] : memref<16x128xf32, #tpu.memory_space<vmem>>, vector<16x128xf32>
    %add3A_17 = arith.addf %add3A, %get3A_16 : vector<16x128xf32>
    %div3A = vector.broadcast %max3A_3 : vector<16x1xf32> to vector<16x128xf32>
    %div3A_18 = arith.divf %add3A_17, %div3A : vector<16x128xf32>
    %swap3A = arith.constant 0 : index
    %swap3A_19 = arith.constant 0 : index
    %swap3A_20 = vector.load %arg3[%swap3A, %swap3A_19] : memref<16x128xf32, #tpu.memory_space<vmem>>, vector<16x128xf32>
    tpu.vector_store %arg3[%swap3A, %swap3A_19], %div3A_18 {strides = array<i32>} : memref<16x128xf32, #tpu.memory_space<vmem>>, vector<16x128xf32>,
    return
  }
}

</mosaic_0001>

<sc_bundles>
// kernel: kernel.5.cloned.1.call-start
scs
__scs_entry_jumppad:
0x0: {  	(pc) =	sbr.rel $0x88, $3  }
0x1: {  	(tag) =	ssettag $0x0;
	lr =	simm.s32 $0x1  }
0x2: {  	[smem:$0x3F9F] =	sst lr;
	_ =	strace $0xD0000000  }
0x3: {  	_ = 	snop  }
0x4: {  	_ = 	snop  }
0x5: {  	_ = 	snop  }
0x6: {  	_ = 	snop  }
0x7: {  	_ = 	snop  }
__scs_overlays_trampoline_lowered:
0x8: {  	[smem:$0x3FAE] =	sst s0  }
0x9: {  	[smem:$0x3FAF] =	sst s1  }
0xa: {  	[smem:$0x3FB0] =	sst s2  }
0xb: {  	[smem:$0x3FB1] =	sst s3  }
0xc: {  	[smem:$0x3FB2] =	sst s4  }
0xd: {  	[smem:$0x3FB3] =	sst s5  }
0xe: {  	[smem:$0x3FB4] =	sst s6  }
0xf: {  	[smem:$0x3FB5] =	sst s7  }
0x10: {  	[smem:$0x3FB6] =	sst s8  }
0x11: {  	[smem:$0x3FB7] =	sst s9;
	s0 =	simm.s32 @!p0 $0x0  }
0x12: {  	s1 =	sld [smem:$0x3F9D];
	s0 =	simm.s32 @p0 $0x1  }
0x13: {  	[smem:$0x3FB8] =	sst s0;
	s0 =	simm.s32 @!p1 $0x0  }
0x14: {  	s2 =	sld [smem:$0x3F9C];
	s0 =	simm.s32 @p1 $0x1  }
0x15: {  	[smem:$0x3FB9] =	sst s0;
	s0 =	simm.s32 @!p2 $0x0  }
0x16: {  	s3 =	sld [smem:$0x3FDB];
	s0 =	simm.s32 @p2 $0x1  }
0x17: {  	s4 =	simm.s32 $0x1BF5;
	[smem:$0x3FBB] =	sst s0  }
0x18: {  	s0 =	sld [smem:$0x3F9E];
	_ =	swait.ge [sflag:s4], $0x0  }
0x19: {  	s7 =	sld [smem:$0x3F9F]  }
0x1a: {  	s8 =	sadd.s32 $0xFFFFE003, lr  }
0x1b: {  	s9 =	sadd.s32 $0xFFFFFEF7, lr;
	s5 =	simm.s32 $0xFFFFFFFF;
	p2 =	slt.u32 s8, $0xFFFFF086  }
0x1c: {  	p1 =	slt.u32 s9, $0xF7A;
	s5 =	simm.s32 @!p2 $0x0  }
0x1d: {  	s5 =	simm.s32 @p1 $0x1;
	p0 =	seq.s32 s7, s2  }
0x1e: {  	s7 =	smul.u32 @!p0 $0xF7A, s2;
	p2 =	seq.s32 @!p0 s5, $0x0  }
0x1f: {  	s9 =	smul.u32 $0xF7A, s1;
	s8 =	simm.s32 @!p0 $0x1BF5;
	p2 =	por !p2, p0  }
0x20: {  	[sflag:s8] =	ssyncset.s32 @!p0 $0xFFFFF086;
	s6 =	sadd.s32 @!p0 s3, s7;
	s7 =	simm.s32 @!p0 $0x108  }
0x21: {  	s3 =	sadd.s32 s3, s9;
	s6 =	sadd.s32 @!p0 $0x88, s6;
	s7 =	simm.s32 @p2 $0x1082  }
0x22: {  	[simem:s7], [sflag:s8] =	dma.local @!p0 [hbm:s6], $0xF7A  }
0x23: {  	s9 =	sor.u32 $0xD0000000, s2;
	s6 =	simm.s32 $0x108;
	_ =	swait.ge @!p0 [sflag:s8], $0x0  }
0x24: {  	s3 =	sadd.s32 $0x88, s3;
	s6 =	simm.s32 @!p1 $0x1082;
	[sflag:s4] =	ssyncset.s32 $0xFFFFF086  }
0x25: {  	[simem:s6], [sflag:s4] =	dma.local [hbm:s3], $0xF7A  }
0x26: {  	[smem:$0x3F9F] =	sst s1;
	(tag) =	ssettag s2;
	_ =	strace s9  }
0x27: {  	s1 =	sld [smem:$0x3FAF]  }
0x28: {  	s2 =	sld [smem:$0x3FB0]  }
0x29: {  	s4 =	sld [smem:$0x3FB2]  }
0x2a: {  	p0 =	seq.s32 s5, $0x0;
	s5 =	sld [smem:$0x3FB3]  }
0x2b: {  	s6 =	sld [smem:$0x3FB4]  }
0x2c: {  	s7 =	sld [smem:$0x3FB5]  }
0x2d: {  	s3 =	simm.s32 $0x108;
	s8 =	sld [smem:$0x3FB6]  }
0x2e: {  	s3 =	simm.s32 @!p0 $0x1082;
	s9 =	sld [smem:$0x3FB7]  }
0x2f: {  	lr =	sadd.s32 s0, s3;
	s0 =	sld [smem:$0x3FAE]  }
0x30: {  	s3 =	sld [smem:$0x3FB1]  }
0x31: {  	[smem:$0x3FBA] =	sst s10  }
0x32: {  	s10 =	sld [smem:$0x3FB8];
	_ =	sdelay $0x3  }
0x33: {  	p0 =	seq.s32 s10, $0x1;
	s10 =	sld [smem:$0x3FBA];
	_ =	sdelay $0x3  }
0x34: {  	[smem:$0x3FBA] =	sst s10  }
0x35: {  	s10 =	sld [smem:$0x3FB9];
	_ =	sdelay $0x3  }
0x36: {  	p1 =	seq.s32 s10, $0x1;
	s10 =	sld [smem:$0x3FBA];
	_ =	sdelay $0x3  }
0x37: {  	[smem:$0x3FBA] =	sst s10  }
0x38: {  	s10 =	sld [smem:$0x3FBB]  }
0x39: {  	_ = 	snop;
	(pc) =	sbr.ind lr, $3  }
0x3a: {  	_ = 	snop  }
0x3b: {  	_ = 	snop  }
0x3c: {  	p2 =	seq.s32 s10, $0x1;
	s10 =	sld [smem:$0x3FBA]  }
0x3d: {  	_ =	shalt  }
0x3e: {  	_ =	shalt  }
0x3f: {  	_ =	shalt  }
0x40: {  	_ =	shalt  }
0x41: {  	_ =	shalt  }
0x42: {  	_ =	shalt  }
0x43: {  	_ =	shalt  }
0x44: {  	_ =	shalt  }
0x45: {  	_ =	shalt  }
0x46: {  	_ =	shalt  }
0x47: {  	_ =	shalt  }
0x48: {  	_ =	shalt  }
0x49: {  	_ =	shalt  }
0x4a: {  	_ =	shalt  }
0x4b: {  	_ =	shalt  }
0x4c: {  	_ =	shalt  }
0x4d: {  	_ =	shalt  }
0x4e: {  	_ =	shalt  }
0x4f: {  	_ =	shalt  }
0x50: {  	_ =	shalt  }
0x51: {  	_ =	shalt  }
0x52: {  	_ =	shalt  }
0x53: {  	_ =	shalt  }
0x54: {  	_ =	shalt  }
0x55: {  	_ =	shalt  }
0x56: {  	_ =	shalt  }
0x57: {  	_ =	shalt  }
0x58: {  	_ =	shalt  }
0x59: {  	_ =	shalt  }
0x5a: {  	_ =	shalt  }
0x5b: {  	_ =	shalt  }
0x5c: {  	_ =	shalt  }
0x5d: {  	_ =	shalt  }
0x5e: {  	_ =	shalt  }
0x5f: {  	_ =	shalt  }
0x60: {  	_ =	shalt  }
0x61: {  	_ =	shalt  }
0x62: {  	_ =	shalt  }
0x63: {  	_ =	shalt  }
0x64: {  	_ =	shalt  }
0x65: {  	_ =	shalt  }
0x66: {  	_ =	shalt  }
0x67: {  	_ =	shalt  }
0x68: {  	_ =	shalt  }
0x69: {  	_ =	shalt  }
0x6a: {  	_ =	shalt  }
0x6b: {  	_ =	shalt  }
0x6c: {  	_ =	shalt  }
0x6d: {  	_ =	shalt  }
0x6e: {  	_ =	shalt  }
0x6f: {  	_ =	shalt  }
0x70: {  	_ =	shalt  }
0x71: {  	_ =	shalt  }
0x72: {  	_ =	shalt  }
0x73: {  	_ =	shalt  }
0x74: {  	_ =	shalt  }
0x75: {  	_ =	shalt  }
0x76: {  	_ =	shalt  }
0x77: {  	_ =	shalt  }
0x78: {  	_ =	shalt  }
0x79: {  	_ =	shalt  }
0x7a: {  	_ =	shalt  }
0x7b: {  	_ =	shalt  }
0x7c: {  	_ =	shalt  }
0x7d: {  	_ =	shalt  }
0x7e: {  	_ =	shalt  }
0x7f: {  	_ =	shalt  }
0x80: {  	_ =	shalt  }
0x81: {  	_ =	shalt  }
0x82: {  	_ =	shalt  }
0x83: {  	_ =	shalt  }
0x84: {  	_ =	shalt  }
0x85: {  	_ =	shalt  }
0x86: {  	_ =	shalt  }
0x87: {  	_ =	shalt  }
.Lfunc_end0:
.L_simem_size_0:
called_computation_lowered:
.L_overlay_start_0:
0x88: {  	s2 =	sld [smem:$0x3FD9]  }
0x89: {  	s3 =	sld [smem:$0x3FFE];
	_ =	sdelay $0x1  }
0x8a: {  	s1 =	srdreg.scid  }
0x8b: {  	s0 =	sand.u32 $0x1, s1  }
0x8c: {  	s17 =	sshll.u32 s0, $0xA;
	s2 =	sadd.s32 s3, s2  }
0x8d: {  	s2 =	sadd.s32 s2, s17  }
0x8e: {  	[smem:$0x3FC6] =	sst s2  }
0x8f: {  	_ = 	snop  }
0x90: {  	s2 =	sld [smem:$0x3FC9]  }
0x91: {  	s18 =	sld [smem:$0x3FC8]  }
0x92: {  	s4 =	sld [smem:$0x3FD0];
	(tm) =	ssettm $0x1  }
0x93: {  	s5 =	sld [smem:$0x3FFB];
	_ =	sdelay $0x3  }
0x94: {  	_ =	strace s5  }
0x95: {  	s5 =	sld [smem:$0x3FFC];
	_ =	sdelay $0x3  }
0x96: {  	_ =	strace s5  }
0x97: {  	s5 =	sld [smem:$0x3FFD];
	_ =	sdelay $0x3  }
0x98: {  	_ =	strace s5  }
0x99: {  	_ =	strace $0x8FFFFFFF  }
0x9a: {  	s19 =	sld [smem:$0x3FDB];
	_ =	sdelay $0x1  }
0x9b: {  	s6 =	simm.s32 $_scs_section_size  }
0x9c: {  	s7 =	simm.s32 $_size__tile_overlayer_lowered;
	s8 =	simm.s32 $_tile_overlayer_lowered  }
0x9d: {  	s22 =	simm.s32 $0x1BFF;
	s21 =	sshll.u32 s8, $0x1;
	s5 =	sadd.s32 s6, s19  }
0x9e: {  	s9 =	simm.s32 $0x0;
	s20 =	sshll.u32 s7, $0x1;
	s7 =	sadd.s32 s21, s5  }
0x9f: {  	[timem:s9], [sflag:s22] =	dma.local [hbm:s7], s20  }
0xa0: {  	_ =	swait.ge [sflag:s22], s20  }
0xa1: {  	s6 =	ssub.s32 $0x0, s20;
	[sflag:s22] =	ssyncset.done $0x0  }
0xa2: {  	[sflag:s22] =	ssyncadd.s32 s6;
	_ =	sdelay $0x1  }
0xa3: {  	s23 =	simm.s32 $0x1B8B  }
0xa4: {  	_ =	swait.ge [sflag:s23], $0x1  }
0xa5: {  	[sflag:s23] =	ssyncset.done $0x0  }
0xa6: {  	s25 =	simm.s32 $0x1B8E;
	s24 =	sld [smem:$0x3FFE];
	[sflag:s23] =	ssyncadd.s32 $0xFFFFFFFF  }
0xa7: {  	s26 =	simm.s32 $execute0_lowered;
	[smem:$0x3FD2] =	sst s25  }
0xa8: {  	s7 =	sshll.u32 s26, $0x1;
	_ =	strace $0x80000046;
	[dreg:$0x1] =	wrdreg $0xFFFFFFFF  }
0xa9: {  	s28 =	simm.s32 $_size_execute0_lowered;
	s5 =	sadd.s32 s5, s7;
	[dreg:$0x0] =	wrdreg $0x0  }
0xaa: {  	s7 =	sshll.u32 s28, $0x1;
	[dreg:$0x2] =	wrdreg s5  }
0xab: {  	[dreg:$0x3] =	wrdreg s7  }
0xac: {  	[dreg:$0x4] =	wrdreg $0xC0  }
0xad: {  	_ =	task [dreg:s9], $0x5FFFF  }
0xae: {  	[dreg:$0x1] =	wrdreg $0xFFFFFFFF  }
0xaf: {  	[dreg:$0x0] =	wrdreg $0x60  }
0xb0: {  	[dreg:$0x2] =	wrdreg s2  }
0xb1: {  	[dreg:$0x3] =	wrdreg s18  }
0xb2: {  	[dreg:$0x4] =	wrdreg s4  }
0xb3: {  	[dreg:$0x5] =	wrdreg s24  }
0xb4: {  	[dreg:$0x6] =	wrdreg $0x88000  }
0xb5: {  	[dreg:$0x7] =	wrdreg $0x9  }
0xb6: {  	_ =	task.clear_ibuf [dreg:s9], $0x8FFFF;
	_ =	strace $0x90000046  }
0xb7: {  	s29 =	simm.s32 $0x9;
	_ =	strace $0x80000048  }
0xb8: {  	_ =	swait.ge [sflag:s29], $0x1  }
0xb9: {  	[sflag:s29] =	ssyncadd.s32 $0xFFFFFFFF  }
0xba: {  	_ =	strace $0x90000048  }
0xbb: {  	_ =	sfence  }
0xbc: {  	s30 =	sld [smem:$0x0];
	_ =	sdelay $0x2  }
0xbd: {  	s31 =	sshll.u32 s1, $0xD;
	s1 =	sshrl.u32 s1, $0x2  }
0xbe: {  	s3 =	sand.u32 $0x4000, s31;
	s1 =	sadd.s32 s1, s30  }
0xbf: {  	s0 =	sor.u32 s3, s0;
	s1 =	sshll.u32 s1, $0x11  }
0xc0: {  	s0 =	sor.u32 s1, s0  }
0xc1: {  	s0 =	sadd.s32 $0x8F2B, s0  }
0xc2: {  	[sflag:s0] =	ssyncadd.remote.s32 $0x1  }
0xc3: {  	_ =	sfence.sel $0xFFFF  }
0xc4: {  	[dreg:$0x0] =	wrdreg $0xFFFFFFFF;
	(pc) =	sbr.abs _section_cstart, $3  }
0xc5: {  	[dreg:$0x1] =	wrdreg $0xFFFFFFFF  }
0xc6: {  	_ =	task.clear_ibuf [dreg:s9], $0x2FFFF;
	_ =	strace $0x9FFFFFFF  }
0xc7: {  	(tm) =	ssettm $0x7FFFFFFF  }
tec
execute0_lowered:
.L_overlay_start_1:
0x0: {  	(tag) =	ssettag $0x1  }
0x1: {  	s0 =	srdreg.scid  }
0x2: {  	s19 =	sand.u32 $0x1, s0  }
0x3: {  	s6 =	stileid.u32;
	s0 =	sshll.u32 s19, $0x4  }
0x4: {  	s29 =	sand.u32 $0x3, s6;
	s13 =	sor.u32 s6, s0  }
0x5: {  	s10 =	rddreg [dreg:$0x0];
	p1 =	sne.s32 s29, $0x0;
	p0 =	seq.s32 s13, $0x0  }
0x6: {  	s4 =	rddreg [dreg:$0x1];
	p0 =	por !p1, !p0  }
0x7: {  	s1 =	rddreg [dreg:$0x2];
	s0 =	simm.s32 $0x1;
	p0 =	por !p0, !p0  }
0x8: {  	s20 =	rddreg [dreg:$0x3];
	s3 =	sshrl.u32 s13, $0x2;
	s0 =	simm.s32 @!p0 $0x0  }
0x9: {  	s2 =	rddreg [dreg:$0x4];
	s11 =	ssub.s32 s3, s0  }
0xa: {  	s0 =	rddreg [dreg:$0x5];
	s3 =	simm.s32 $0x0;
	s5 =	sshll.u32 s11, $0x7  }
0xb: {  	[smem:$0x7FF] =	sst s3;
	s5 =	sand.u32 $0x1FFFFF80, s5  }
0xc: {  	_ =	strace $0x80000047;
	s4 =	sadd.s32 s4, s5;
	s5 =	simm.s32 $0x4  }
0xd: {  	[tilespmem:s3], [sflag:$0x4] =	stream.linear.gather [hbm4b:s4+s3], $0x800, $0x38;
	[tilespmem:$0x8880] =	vst v63  }
0xe: {  	p0 =	sne.s32 s6, $0x0;
	_ =	swait.ge [sflag:s5], $0x800  }
0xf: {  	s7 =	sshrl.u32 @!p0 s2, $0x3;
	[sflag:s5] =	ssyncset.done $0x0  }
0x10: {  	s8 =	simm.s32 @!p0 $0x1C04;
	s6 =	simm.s32 @!p0 $0x4;
	[sflag:s5] =	ssyncadd.s32 $0xFFFFF800  }
0x11: {  	[spmem:s7], [sflag:s8] =	dma.local @!p0 [hbm:s1], $0x100  }
0x12: {  	_ =	swait.ge @!p0 [sflag:s6], $0x100  }
0x13: {  	s30 =	sshll.u32 s13, $0xC;
	[sflag:s6] =	ssyncset.done @!p0 $0x0  }
0x14: {  	s9 =	simm.s32 $0x1;
	s10 =	sadd.s32 s10, s30;
	[sflag:s6] =	ssyncadd.s32 @!p0 $0xFFFFFF00  }
0x15: {  	s14 =	sshll.u32 s11, $0xC;
	s11 =	simm.s32 $0x800;
	[bflag:$0x0] =	sbarrier.arrive $0xFFFF  }
0x16: {  	[tilespmem:s11], [sflag:$0x1] =	stream.linear.gather [hbm4b:s10+s3], $0x4000, $0x38;
	[tilespmem:$0x8880] =	vst v63  }
0x17: {  	s15 =	sshll.u32 s13, $0xA;
	s13 =	simm.s32 $0x4800;
	s12 =	sadd.s32 $0x800, s10  }
0x18: {  	[tilespmem:s13], [sflag:$0x2] =	stream.linear.gather [hbm4b:s12+s3], $0x4000, $0x38;
	[tilespmem:$0x8880] =	vst v63  }
0x19: {  	_ =	swait.ge [sflag:s9], $0x4000  }
0x1a: {  	s16 =	simm.s32 $0x2;
	s14 =	ssub.s32 s15, s14;
	[sflag:s9] =	ssyncset.done $0x0  }
0x1b: {  	s15 =	simm.s32 $0x80;
	s14 =	sshra.s32 s14, $0x2;
	[sflag:s9] =	ssyncadd.s32 $0xFFFFC000  }
0x1c: {  	[spmem:s2] =	stream.indirect.scatter.add.f32 [tilespmem:s11], [sflag:$0x3], $0x80, s14, s15, $0xb8;
	[tilespmem:$0x8880] =	vst v63  }
0x1d: {  	_ =	swait.ge [sflag:s16], $0x4000  }
0x1e: {  	s18 =	simm.s32 $0x3;
	[sflag:s16] =	ssyncset.done $0x0  }
0x1f: {  	s21 =	ssub.s32 $0x2, s19;
	s17 =	sor.u32 $0x80, s14;
	[sflag:s16] =	ssyncadd.s32 $0xFFFFC000  }
0x20: {  	[spmem:s2] =	stream.indirect.scatter.add.f32 [tilespmem:s13], [sflag:$0x3], $0x80, s17, s15, $0xb8;
	[tilespmem:$0x8880] =	vst v63  }
0x21: {  	s22 =	sshrl.u32 s21, $0x1;
	_ =	swait.ge [sflag:s18], $0x4000  }
0x22: {  	s21 =	ssub.s32 s21, s22;
	[sflag:s18] =	ssyncset.done $0x0  }
0x23: {  	s19 =	sshll.u32 s19, $0x8;
	s31 =	smax.u32 s21, $0x1;
	[sflag:s18] =	ssyncadd.s32 $0xFFFFC000  }
0x24: {  	s19 =	sadd.s32 s19, s20;
	s20 =	sadd.s32 $0xFFFFFFFF, s31;
	_ =	swait.ge [sflag:s18], $0x4000  }
0x25: {  	p1 =	sne.s32 s20, $0x0;
	[sflag:s18] =	ssyncset.done $0x0  }
.Ltmp0:
0x26: {  	[sflag:s18] =	ssyncadd.s32 $0xFFFFC000;
	(pc) =	sbr.rel @!p1 .LBB2_2-.Ltmp0, $4  }
0x27: {  	s19 =	sadd.s32 $0x1A00, s19;
	[bflag:$0x0] =	sbarrier.arrive $0xFFFF  }
0x28: {  	[hbm:s19], [sflag:s8] =	dma.local @!p0 [spmem:s7], $0x100  }
0x29: {  	_ =	swait.ge @!p0 [sflag:s6], $0x100  }
0x2a: {  	[sflag:s6] =	ssyncset.done @!p0 $0x0  }
.LBB2_1:
0x2b: {  	s20 =	sadd.s32 $0xFFFFFFFF, s20;
	[sflag:s6] =	ssyncadd.s32 @!p0 $0xFFFFFF00  }
0x2c: {  	[tilespmem:s3], [sflag:$0x4] =	stream.linear.gather [hbm4b:s4+s3], $0x800, $0x38;
	[tilespmem:$0x8880] =	vst v63  }
0x2d: {  	p1 =	sne.s32 s20, $0x0;
	_ =	swait.ge [sflag:s5], $0x800  }
0x2e: {  	[sflag:s5] =	ssyncset.done $0x0  }
0x2f: {  	[sflag:s5] =	ssyncadd.s32 $0xFFFFF800  }
0x30: {  	[spmem:s7], [sflag:s8] =	dma.local @!p0 [hbm:s1], $0x100  }
0x31: {  	_ =	swait.ge @!p0 [sflag:s6], $0x100  }
0x32: {  	[sflag:s6] =	ssyncset.done @!p0 $0x0  }
0x33: {  	[sflag:s6] =	ssyncadd.s32 @!p0 $0xFFFFFF00  }
0x34: {  	[bflag:$0x0] =	sbarrier.arrive $0xFFFF  }
0x35: {  	[tilespmem:s11], [sflag:$0x1] =	stream.linear.gather [hbm4b:s10+s3], $0x4000, $0x38;
	[tilespmem:$0x8880] =	vst v63  }
0x36: {  	_ = 	snop  }
0x37: {  	[tilespmem:s13], [sflag:$0x2] =	stream.linear.gather [hbm4b:s12+s3], $0x4000, $0x38;
	[tilespmem:$0x8880] =	vst v63  }
0x38: {  	_ =	swait.ge [sflag:s9], $0x4000  }
0x39: {  	[sflag:s9] =	ssyncset.done $0x0  }
0x3a: {  	[sflag:s9] =	ssyncadd.s32 $0xFFFFC000  }
0x3b: {  	[spmem:s2] =	stream.indirect.scatter.add.f32 [tilespmem:s11], [sflag:$0x3], $0x80, s14, s15, $0xb8;
	[tilespmem:$0x8880] =	vst v63  }
0x3c: {  	_ =	swait.ge [sflag:s16], $0x4000  }
0x3d: {  	[sflag:s16] =	ssyncset.done $0x0  }
0x3e: {  	[sflag:s16] =	ssyncadd.s32 $0xFFFFC000  }
0x3f: {  	[spmem:s2] =	stream.indirect.scatter.add.f32 [tilespmem:s13], [sflag:$0x3], $0x80, s17, s15, $0xb8;
	[tilespmem:$0x8880] =	vst v63  }
0x40: {  	_ =	swait.ge [sflag:s18], $0x4000  }
0x41: {  	[sflag:s18] =	ssyncset.done $0x0  }
0x42: {  	[sflag:s18] =	ssyncadd.s32 $0xFFFFC000  }
0x43: {  	_ =	swait.ge [sflag:s18], $0x4000  }
0x44: {  	[sflag:s18] =	ssyncset.done $0x0  }
.Ltmp1:
0x45: {  	[sflag:s18] =	ssyncadd.s32 $0xFFFFC000;
	(pc) =	sbr.rel @p1 .LBB2_1-.Ltmp1, $4  }
0x46: {  	[bflag:$0x0] =	sbarrier.arrive $0xFFFF  }
0x47: {  	[hbm:s19], [sflag:s8] =	dma.local @!p0 [spmem:s7], $0x100  }
0x48: {  	_ =	swait.ge @!p0 [sflag:s6], $0x100  }
0x49: {  	[sflag:s6] =	ssyncset.done @!p0 $0x0  }
.LBB2_2:
0x4a: {  	[sflag:s6] =	ssyncadd.s32 @!p0 $0xFFFFFF00  }
0x4b: {  	_ =	sfence.sel $0x180000  }
0x4c: {  	[bflag:$0x0] =	sbarrier.arrive $0xFFFF  }
0x4d: {  	_ =	strace $0x90000047  }
0x4e: {  	s0 =	sadd.s32 @!p0 $0x100000, s0;
	[bflag:$0x2] =	sbarrier.arrive $0xFFFF  }
0x4f: {  	[sflag:s0] =	ssyncadd.tile.s32 @!p0 $0x1;
	_ =	shalt  }
.Lfunc_end2:
_tile_overlayer_lowered:
.L_overlay_start_2:
0x50: {  	(tag) =	ssettag $0x2  }
0x51: {  	s0 =	rddreg [dreg:$0x0];
	s2 =	stileid.u32  }
0x52: {  	s1 =	rddreg [dreg:$0x1];
	p0 =	sne.s32 s2, $0x0  }
0x53: {  	s3 =	rddreg [dreg:$0x2];
	[bflag:$0x3] =	sbarrier.arrive $0xFFFF;
	s2 =	simm.s32 @!p0 $0x1C04  }
0x54: {  	[timem:s3], [sflag:s2] =	dma.local @!p0 [hbm:s0], s1  }
0x55: {  	s0 =	simm.s32 @!p0 $0x4  }
0x56: {  	_ =	swait.ge @!p0 [sflag:s0], s1  }
0x57: {  	s1 =	ssub.s32 @!p0 $0x0, s1;
	[sflag:s0] =	ssyncset.done @!p0 $0x0  }
0x58: {  	[sflag:s0] =	ssyncadd.s32 @!p0 s1  }
0x59: {  	[bflag:$0x3] =	sbarrier.arrive $0xFFFF  }
0x5a: {  	_ =	shalt  }

</sc_bundles>
